<compile_context>
chip_gen: v7x
topology: tpu7x:2x2x1
jax: 0.10.2.dev20260603
libtpu: 0.0.44.dev20260713+nightly
codegen_flags: <defaults>
</compile_context>

<pallas_src>
import functools

import jax
import jax.numpy as jnp
from jax import lax
from jax.experimental import pallas as pl
from jax.experimental.pallas import tpu as pltpu
from jax.experimental.pallas import tpu_sc as plsc

_VOCAB = 1000000
_E = 32
_L = 200
_B = 4096
_EPS = 1e-12

_ROWS = _B * _L
_NC, _NS = 2, 16
_NW = _NC * _NS
_ROWS_W = _ROWS // _NW
_STEP = 128
_STEPS_W = _ROWS_W // _STEP


def _gather_body(tbl, idx, out, idx_v, rows_v, sem):
  wid = lax.axis_index("s") * _NC + lax.axis_index("c")
  row_base = wid * _ROWS_W
  pltpu.sync_copy(idx.at[pl.ds(wid * _STEPS_W, _STEPS_W)], idx_v)

  def step(j, carry):
    pltpu.async_copy(tbl.at[idx_v.at[j]], rows_v, sem).wait()
    pltpu.sync_copy(rows_v, out.at[pl.ds(row_base + j * _STEP, _STEP)])
    return carry

  lax.fori_loop(0, _STEPS_W, step, 0)


@functools.partial(
    pl.kernel,
    mesh=plsc.VectorSubcoreMesh(core_axis_name="c", subcore_axis_name="s"),
    out_type=jax.ShapeDtypeStruct((_ROWS, _E), jnp.float32),
    scratch_types=[
        pltpu.VMEM((_STEPS_W, _STEP), jnp.int32),
        pltpu.VMEM((_STEP, _E), jnp.float32),
        pltpu.SemaphoreType.DMA,
    ],
    compiler_params=pltpu.CompilerParams(use_tc_tiling_on_sc=False),
)
def _sc_gather(tbl, idx, out, idx_v, rows_v, sem):
  _gather_body(tbl, idx, out, idx_v, rows_v, sem)


_B_BLK = 32


def _ln_body(g_ref, pt_ref, gam_ref, bet_ref, o_ref):
  e = g_ref[...] + pt_ref[...]
  m = jnp.mean(e, axis=-1, keepdims=True)
  c = e - m
  var = jnp.mean(c * c, axis=-1, keepdims=True)
  normed = c * lax.rsqrt(var + _EPS)
  o_ref[...] = normed * gam_ref[...] + bet_ref[...]


def _tc_ln(gathered, pt, gamma, beta):
  grid = (_B // _B_BLK,)
  return pl.pallas_call(
      _ln_body,
      grid=grid,
      in_specs=[
          pl.BlockSpec((_B_BLK, _L, _E), lambda i: (i, 0, 0)),
          pl.BlockSpec((1, _L, _E), lambda i: (0, 0, 0)),
          pl.BlockSpec((1, 1, _E), lambda i: (0, 0, 0)),
          pl.BlockSpec((1, 1, _E), lambda i: (0, 0, 0)),
      ],
      out_specs=pl.BlockSpec((_B_BLK, _L, _E), lambda i: (i, 0, 0)),
      out_shape=jax.ShapeDtypeStruct((_B, _L, _E), jnp.float32),
  )(gathered, pt, gamma, beta)


def kernel(x, word_table, pos_table, type_table, ln_gamma, ln_beta):
  idx = x.reshape(_ROWS // _STEP, _STEP)
  gathered = _sc_gather(word_table, idx)
  pt = (pos_table + type_table[1][None, :]).reshape(1, _L, _E)
  gam = ln_gamma.reshape(1, 1, _E)
  bet = ln_beta.reshape(1, 1, _E)
  return _tc_ln(gathered.reshape(_B, _L, _E), pt, gam, bet)

# --- scband reference (transcript-rebuilt; emitter-appended) ---
"""Pipeline reference for scband-bert-text-embeddings-38783554683597 (READ-ONLY COPY).

The authoritative reference and input builder live on the scoring server;
editing this copy changes nothing except your own understanding.
"""

import jax, jax.numpy as jnp
import numpy as np

VOCAB = 1000000
N_EMBED = 32
MAX_SEQ_LEN = 200
BATCH = 4096
EPS = 1e-12


def setup_inputs(seed: int = 0) -> dict:
    key = jax.random.key(seed)
    k1, k2, k3, k4 = jax.random.split(key, 4)
    x = jax.random.randint(k1, (BATCH, MAX_SEQ_LEN), 0, VOCAB, dtype=jnp.int32)
    word_table = jax.random.normal(k2, (VOCAB, N_EMBED), dtype=jnp.float32) * 0.02
    pos_table = jax.random.normal(k3, (MAX_SEQ_LEN, N_EMBED), dtype=jnp.float32) * 0.02
    type_table = jax.random.normal(k4, (2, N_EMBED), dtype=jnp.float32) * 0.02
    ln_gamma = jnp.ones((N_EMBED,), dtype=jnp.float32)
    ln_beta = jnp.zeros((N_EMBED,), dtype=jnp.float32)
    return {"x": x, "word_table": word_table, "pos_table": pos_table,
            "type_table": type_table, "ln_gamma": ln_gamma, "ln_beta": ln_beta}


def reference(x, word_table, pos_table, type_table, ln_gamma, ln_beta):
    B, L = x.shape
    # word embedding lookup (gather)
    words_embeddings = jnp.take(word_table, x, axis=0)  # [B, L, E]
    # position embeddings, broadcast over batch
    position_ids = jnp.arange(L, dtype=jnp.int32)
    position_embeddings = jnp.take(pos_table, position_ids, axis=0)[None, :, :]  # [1, L, E]
    # segment (token type) embeddings: token type id 1 for all rows, broadcast over seq
    seg_ids = jnp.ones((B,), dtype=jnp.int32)
    segments_embeddings = jnp.take(type_table, seg_ids, axis=0)[:, None, :]  # [B, 1, E]
    embeddings = words_embeddings + position_embeddings + segments_embeddings
    # LayerNorm(eps=1e-12, elementwise_affine=True)
    mean = jnp.mean(embeddings, axis=-1, keepdims=True)
    var = jnp.mean((embeddings - mean) ** 2, axis=-1, keepdims=True)
    normed = (embeddings - mean) / jnp.sqrt(var + EPS)
    out = normed * ln_gamma + ln_beta
    # dropout is identity in eval/inference mode
    return out

if __name__ == "__main__":
    import jax
    _d = setup_inputs()
    print(jax.jit(kernel)(*tuple(_d.values())))

</pallas_src>

<mosaic_0001>
#map = affine_map<(d0, d1) -> (0, 0)>
module attributes {stable_mosaic.version = 14 : i64} {
  func.func @_sc_gather(%arg0: i32, %arg1: i32, %arg2: memref<1000000x32xf32, #tpu.memory_space<hbm>>, %arg3: memref<6400x128xi32, #tpu.memory_space<hbm>>, %arg4: memref<819200x32xf32, #tpu.memory_space<hbm>>, %arg5: memref<200x128xi32, #tpu.memory_space<vmem>>, %arg6: memref<128x32xf32, #tpu.memory_space<vmem>>, %arg7: memref<!tpu.dma_semaphore, #tpu.memory_space<semaphore_mem>>) attributes {dimension_semantics = [#tpu.dimension_semantics<core_parallel>, #tpu.dimension_semantics<subcore_parallel>], iteration_bounds = array<i64: 2, 16>, scalar_prefetch = 0 : i64, scratch_operands = 3 : i64, tpu.core_type = #tpu.core_type<sc_vector_subcore>, window_params = [{transform_indices = #map}, {transform_indices = #map}, {transform_indices = #map}]} {
    %mul3A = arith.constant 2 : i32
    %mul3A_0 = arith.muli %arg1, %mul3A : i32
    %add3A = arith.addi %mul3A_0, %arg0 : i32
    %mul3A_1 = arith.constant 25600 : i32
    %mul3A_2 = arith.muli %add3A, %mul3A_1 : i32
    %mul3A_3 = arith.constant 200 : i32
    %mul3A_4 = arith.muli %add3A, %mul3A_3 : i32
    "tpu.region"() ({
      %run_scoped3A = tpu.sem_alloc : memref<!tpu.dma_semaphore, #tpu.memory_space<semaphore_mem>>
      %dma_start3A = arith.constant 0 : i32
      %dma_start3A_10 = tpu.memref_slice %arg3[%mul3A_4, %dma_start3A] : memref<6400x128xi32, #tpu.memory_space<hbm>> -> memref<200x128xi32, #tpu.memory_space<hbm>>
      %dma_start3A_11 = arith.constant 0 : i32
      %dma_start3A_12 = tpu.memref_slice %arg3[%mul3A_4, %dma_start3A_11] : memref<6400x128xi32, #tpu.memory_space<hbm>> -> memref<200x128xi32, #tpu.memory_space<hbm>>
      tpu.enqueue_dma source(%dma_start3A_12 : memref<200x128xi32, #tpu.memory_space<hbm>>) target(%arg5 : memref<200x128xi32, #tpu.memory_space<vmem>>) target_semaphore(%run_scoped3A : memref<!tpu.dma_semaphore, #tpu.memory_space<semaphore_mem>>)
      %dma_wait3A = arith.constant 0 : i32
      %dma_wait3A_13 = tpu.memref_slice %arg3[%mul3A_4, %dma_wait3A] : memref<6400x128xi32, #tpu.memory_space<hbm>> -> memref<200x128xi32, #tpu.memory_space<hbm>>
      %dma_wait3A_14 = arith.constant 0 : i32
      %dma_wait3A_15 = tpu.memref_slice %arg3[%mul3A_4, %dma_wait3A_14] : memref<6400x128xi32, #tpu.memory_space<hbm>> -> memref<200x128xi32, #tpu.memory_space<hbm>>
      tpu.wait_dma2 semaphore(%run_scoped3A : memref<!tpu.dma_semaphore, #tpu.memory_space<semaphore_mem>>) src(%dma_wait3A_15 : memref<200x128xi32, #tpu.memory_space<hbm>>) dst(%arg5 : memref<200x128xi32, #tpu.memory_space<vmem>>)
      tpu.yield
    }) : () -> ()
    %scan3A = arith.constant 0 : i32
    %scan3A_5 = arith.constant 0 : i32
    %scan3A_6 = arith.constant 200 : i32
    %scan3A_7 = arith.addi %scan3A_5, %scan3A_6 : i32
    %scan3A_8 = arith.constant 1 : i32
    scf.for %scan3A_10 = %scan3A_5 to %scan3A_7 step %scan3A_8  : i32 {
      %dma_start3A = arith.constant 0 : i32
      %dma_start3A_11 = tpu.memref_slice %arg5[%scan3A_10, %dma_start3A] : memref<200x128xi32, #tpu.memory_space<vmem>> -> memref<1x128xi32, #tpu.memory_space<vmem>>
      %dma_start3A_12 = tpu.memref_squeeze %dma_start3A_11 : memref<1x128xi32, #tpu.memory_space<vmem>> -> memref<128xi32, #tpu.memory_space<vmem>>
      %dma_start3A_13 = arith.constant 0 : i32
      %dma_start3A_14 = arith.constant 0 : i32
      %dma_start3A_15 = tpu.memref_slice %arg2[%dma_start3A_13, %dma_start3A_14] : memref<1000000x32xf32, #tpu.memory_space<hbm>> -> memref<1000000x32xf32, #tpu.memory_space<hbm>>
      tpu.enqueue_indirect_dma source(%dma_start3A_15 : memref<1000000x32xf32, #tpu.memory_space<hbm>>) target(%arg6 : memref<128x32xf32, #tpu.memory_space<vmem>>) offsets(%dma_start3A_12 : memref<128xi32, #tpu.memory_space<vmem>>) semaphore(%arg7 : memref<!tpu.dma_semaphore, #tpu.memory_space<semaphore_mem>>)
      %dma_wait3A = arith.constant 0 : i32
      %dma_wait3A_16 = tpu.memref_slice %arg5[%scan3A_10, %dma_wait3A] : memref<200x128xi32, #tpu.memory_space<vmem>> -> memref<1x128xi32, #tpu.memory_space<vmem>>
      %dma_wait3A_17 = tpu.memref_squeeze %dma_wait3A_16 : memref<1x128xi32, #tpu.memory_space<vmem>> -> memref<128xi32, #tpu.memory_space<vmem>>
      %dma_wait3A_18 = arith.constant 0 : i32
      %dma_wait3A_19 = arith.constant 0 : i32
      %dma_wait3A_20 = tpu.memref_slice %arg2[%dma_wait3A_18, %dma_wait3A_19] : memref<1000000x32xf32, #tpu.memory_space<hbm>> -> memref<1000000x32xf32, #tpu.memory_space<hbm>>
      tpu.wait_indirect_dma semaphore(%arg7 : memref<!tpu.dma_semaphore, #tpu.memory_space<semaphore_mem>>) src(%dma_wait3A_20 : memref<1000000x32xf32, #tpu.memory_space<hbm>>) dst(%arg6 : memref<128x32xf32, #tpu.memory_space<vmem>>)
      %mul3A_21 = arith.constant 128 : i32
      %mul3A_22 = arith.muli %scan3A_10, %mul3A_21 : i32
      %add3A_23 = arith.addi %mul3A_2, %mul3A_22 : i32
      "tpu.region"() ({
        %run_scoped3A = tpu.sem_alloc : memref<!tpu.dma_semaphore, #tpu.memory_space<semaphore_mem>>
        %dma_start3A_24 = arith.constant 0 : i32
        %dma_start3A_25 = tpu.memref_slice %arg4[%add3A_23, %dma_start3A_24] : memref<819200x32xf32, #tpu.memory_space<hbm>> -> memref<128x32xf32, #tpu.memory_space<hbm>>
        %dma_start3A_26 = arith.constant 0 : i32
        %dma_start3A_27 = tpu.memref_slice %arg4[%add3A_23, %dma_start3A_26] : memref<819200x32xf32, #tpu.memory_space<hbm>> -> memref<128x32xf32, #tpu.memory_space<hbm>>
        tpu.enqueue_dma source(%arg6 : memref<128x32xf32, #tpu.memory_space<vmem>>) target(%dma_start3A_27 : memref<128x32xf32, #tpu.memory_space<hbm>>) target_semaphore(%run_scoped3A : memref<!tpu.dma_semaphore, #tpu.memory_space<semaphore_mem>>)
        %dma_wait3A_28 = arith.constant 0 : i32
        %dma_wait3A_29 = tpu.memref_slice %arg4[%add3A_23, %dma_wait3A_28] : memref<819200x32xf32, #tpu.memory_space<hbm>> -> memref<128x32xf32, #tpu.memory_space<hbm>>
        %dma_wait3A_30 = arith.constant 0 : i32
        %dma_wait3A_31 = tpu.memref_slice %arg4[%add3A_23, %dma_wait3A_30] : memref<819200x32xf32, #tpu.memory_space<hbm>> -> memref<128x32xf32, #tpu.memory_space<hbm>>
        tpu.wait_dma2 semaphore(%run_scoped3A : memref<!tpu.dma_semaphore, #tpu.memory_space<semaphore_mem>>) src(%arg6 : memref<128x32xf32, #tpu.memory_space<vmem>>) dst(%dma_wait3A_31 : memref<128x32xf32, #tpu.memory_space<hbm>>)
        tpu.yield
      }) : () -> ()
    }
    %scan3A_9 = arith.constant 200 : i32
    return
  }
}

module attributes {stable_mosaic.version = 14 : i64} {
  func.func @_ln_body(%arg0: i32, %arg1: memref<32x200x32xf32, #tpu.memory_space<vmem>>, %arg2: memref<1x200x32xf32, #tpu.memory_space<vmem>>, %arg3: memref<1x1x32xf32, #tpu.memory_space<vmem>>, %arg4: memref<1x1x32xf32, #tpu.memory_space<vmem>>, %arg5: memref<32x200x32xf32, #tpu.memory_space<vmem>>) attributes {dimension_semantics = [#tpu.dimension_semantics<arbitrary>], iteration_bounds = array<i64: 128>, scalar_prefetch = 0 : i64, scratch_operands = 0 : i64, tpu.core_type = #tpu.core_type<tc>, window_params = [{transform_indices = @transform_0, window_bounds = array<i64: 32, 200, 32>}, {pipeline_mode = #tpu.pipeline_mode<synchronous>, transform_indices = @transform_1, window_bounds = array<i64: 1, 200, 32>}, {pipeline_mode = #tpu.pipeline_mode<synchronous>, transform_indices = @transform_2, window_bounds = array<i64: 1, 1, 32>}, {pipeline_mode = #tpu.pipeline_mode<synchronous>, transform_indices = @transform_3, window_bounds = array<i64: 1, 1, 32>}, {transform_indices = @transform_4, window_bounds = array<i64: 32, 200, 32>}]} {
    %get3A = arith.constant 0 : index
    %get3A_0 = arith.constant 0 : index
    %get3A_1 = arith.constant 0 : index
    %get3A_2 = vector.load %arg1[%get3A, %get3A_0, %get3A_1] : memref<32x200x32xf32, #tpu.memory_space<vmem>>, vector<32x200x32xf32>
    %get3A_3 = arith.constant 0 : index
    %get3A_4 = arith.constant 0 : index
    %get3A_5 = arith.constant 0 : index
    %get3A_6 = vector.load %arg2[%get3A_3, %get3A_4, %get3A_5] : memref<1x200x32xf32, #tpu.memory_space<vmem>>, vector<1x200x32xf32>
    %add3A = vector.broadcast %get3A_6 : vector<1x200x32xf32> to vector<32x200x32xf32>
    %add3A_7 = arith.addf %get3A_2, %add3A : vector<32x200x32xf32>
    %reduce_sum3A = arith.constant dense<0.000000e+00> : vector<32x200xf32>
    %reduce_sum3A_8 = vector.multi_reduction <add>, %add3A_7, %reduce_sum3A [2] : vector<32x200x32xf32> to vector<32x200xf32>
    %broadcast_in_dim3A = vector.shape_cast %reduce_sum3A_8 : vector<32x200xf32> to vector<32x200x1xf32>
    %div3A = arith.constant 3.200000e+01 : f32
    %div3A_9 = vector.broadcast %div3A : f32 to vector<32x200x1xf32>
    %div3A_10 = arith.divf %broadcast_in_dim3A, %div3A_9 : vector<32x200x1xf32>
    %sub3A = vector.broadcast %div3A_10 : vector<32x200x1xf32> to vector<32x200x32xf32>
    %sub3A_11 = arith.subf %add3A_7, %sub3A : vector<32x200x32xf32>
    %mul3A = arith.mulf %sub3A_11, %sub3A_11 : vector<32x200x32xf32>
    %reduce_sum3A_12 = arith.constant dense<0.000000e+00> : vector<32x200xf32>
    %reduce_sum3A_13 = vector.multi_reduction <add>, %mul3A, %reduce_sum3A_12 [2] : vector<32x200x32xf32> to vector<32x200xf32>
    %broadcast_in_dim3A_14 = vector.shape_cast %reduce_sum3A_13 : vector<32x200xf32> to vector<32x200x1xf32>
    %div3A_15 = arith.constant 3.200000e+01 : f32
    %div3A_16 = vector.broadcast %div3A_15 : f32 to vector<32x200x1xf32>
    %div3A_17 = arith.divf %broadcast_in_dim3A_14, %div3A_16 : vector<32x200x1xf32>
    %add3A_18 = arith.constant 9.99999996E-13 : f32
    %add3A_19 = vector.broadcast %add3A_18 : f32 to vector<32x200x1xf32>
    %add3A_20 = arith.addf %div3A_17, %add3A_19 : vector<32x200x1xf32>
    %rsqrt3A = math.rsqrt %add3A_20 : vector<32x200x1xf32>
    %mul3A_21 = vector.broadcast %rsqrt3A : vector<32x200x1xf32> to vector<32x200x32xf32>
    %mul3A_22 = arith.mulf %sub3A_11, %mul3A_21 : vector<32x200x32xf32>
    %get3A_23 = arith.constant 0 : index
    %get3A_24 = arith.constant 0 : index
    %get3A_25 = arith.constant 0 : index
    %get3A_26 = vector.load %arg3[%get3A_23, %get3A_24, %get3A_25] : memref<1x1x32xf32, #tpu.memory_space<vmem>>, vector<1x1x32xf32>
    %mul3A_27 = vector.broadcast %get3A_26 : vector<1x1x32xf32> to vector<32x200x32xf32>
    %mul3A_28 = arith.mulf %mul3A_22, %mul3A_27 : vector<32x200x32xf32>
    %get3A_29 = arith.constant 0 : index
    %get3A_30 = arith.constant 0 : index
    %get3A_31 = arith.constant 0 : index
    %get3A_32 = vector.load %arg4[%get3A_29, %get3A_30, %get3A_31] : memref<1x1x32xf32, #tpu.memory_space<vmem>>, vector<1x1x32xf32>
    %add3A_33 = vector.broadcast %get3A_32 : vector<1x1x32xf32> to vector<32x200x32xf32>
    %add3A_34 = arith.addf %mul3A_28, %add3A_33 : vector<32x200x32xf32>
    %swap3A = arith.constant 0 : index
    %swap3A_35 = arith.constant 0 : index
    %swap3A_36 = arith.constant 0 : index
    %swap3A_37 = vector.load %arg5[%swap3A, %swap3A_35, %swap3A_36] : memref<32x200x32xf32, #tpu.memory_space<vmem>>, vector<32x200x32xf32>
    tpu.vector_store %arg5[%swap3A, %swap3A_35, %swap3A_36], %add3A_34 {strides = array<i32>} : memref<32x200x32xf32, #tpu.memory_space<vmem>>, vector<32x200x32xf32>,
    return
  }
  func.func @transform_0(%arg0: i32) -> (i32, i32, i32) {
    %c0_i32 = arith.constant 0 : i32
    %c0_i32_0 = arith.constant 0 : i32
    %c0_i32_1 = arith.constant 0 : i32
    return %arg0, %c0_i32, %c0_i32_0 : i32, i32, i32
  }
  func.func @transform_1(%arg0: i32) -> (i32, i32, i32) {
    %c0_i32 = arith.constant 0 : i32
    %c0_i32_0 = arith.constant 0 : i32
    %c0_i32_1 = arith.constant 0 : i32
    %c0_i32_2 = arith.constant 0 : i32
    return %c0_i32, %c0_i32_0, %c0_i32_1 : i32, i32, i32
  }
  func.func @transform_2(%arg0: i32) -> (i32, i32, i32) {
    %c0_i32 = arith.constant 0 : i32
    %c0_i32_0 = arith.constant 0 : i32
    %c0_i32_1 = arith.constant 0 : i32
    %c0_i32_2 = arith.constant 0 : i32
    return %c0_i32, %c0_i32_0, %c0_i32_1 : i32, i32, i32
  }
  func.func @transform_3(%arg0: i32) -> (i32, i32, i32) {
    %c0_i32 = arith.constant 0 : i32
    %c0_i32_0 = arith.constant 0 : i32
    %c0_i32_1 = arith.constant 0 : i32
    %c0_i32_2 = arith.constant 0 : i32
    return %c0_i32, %c0_i32_0, %c0_i32_1 : i32, i32, i32
  }
  func.func @transform_4(%arg0: i32) -> (i32, i32, i32) {
    %c0_i32 = arith.constant 0 : i32
    %c0_i32_0 = arith.constant 0 : i32
    %c0_i32_1 = arith.constant 0 : i32
    return %arg0, %c0_i32, %c0_i32_0 : i32, i32, i32
  }
}

</mosaic_0001>

<sc_bundles>
// kernel: kernel.4.cloned.1.call-start
scs
__scs_entry_jumppad:
0x0: {  	(pc) =	sbr.rel $0x88, $3  }
0x1: {  	(tag) =	ssettag $0x0;
	lr =	simm.s32 $0x1  }
0x2: {  	[smem:$0x3F9B] =	sst lr;
	_ =	strace $0xD0000000  }
0x3: {  	_ = 	snop  }
0x4: {  	_ = 	snop  }
0x5: {  	_ = 	snop  }
0x6: {  	_ = 	snop  }
0x7: {  	_ = 	snop  }
__scs_overlays_trampoline_lowered:
0x8: {  	[smem:$0x3FAA] =	sst s0  }
0x9: {  	[smem:$0x3FAB] =	sst s1  }
0xa: {  	[smem:$0x3FAC] =	sst s2  }
0xb: {  	[smem:$0x3FAD] =	sst s3  }
0xc: {  	[smem:$0x3FAE] =	sst s4  }
0xd: {  	[smem:$0x3FAF] =	sst s5  }
0xe: {  	[smem:$0x3FB0] =	sst s6  }
0xf: {  	[smem:$0x3FB1] =	sst s7  }
0x10: {  	[smem:$0x3FB2] =	sst s8  }
0x11: {  	[smem:$0x3FB3] =	sst s9;
	s0 =	simm.s32 @!p0 $0x0  }
0x12: {  	s1 =	sld [smem:$0x3F99];
	s0 =	simm.s32 @p0 $0x1  }
0x13: {  	[smem:$0x3FB4] =	sst s0;
	s0 =	simm.s32 @!p1 $0x0  }
0x14: {  	s2 =	sld [smem:$0x3F98];
	s0 =	simm.s32 @p1 $0x1  }
0x15: {  	[smem:$0x3FB5] =	sst s0;
	s0 =	simm.s32 @!p2 $0x0  }
0x16: {  	s3 =	sld [smem:$0x3FDB];
	s0 =	simm.s32 @p2 $0x1  }
0x17: {  	s4 =	simm.s32 $0x1BF5;
	[smem:$0x3FB7] =	sst s0  }
0x18: {  	s0 =	sld [smem:$0x3F9A];
	_ =	swait.ge [sflag:s4], $0x0  }
0x19: {  	s7 =	sld [smem:$0x3F9B]  }
0x1a: {  	s8 =	sadd.s32 $0xFFFFE003, lr  }
0x1b: {  	s9 =	sadd.s32 $0xFFFFFEF7, lr;
	s5 =	simm.s32 $0xFFFFFFFF;
	p2 =	slt.u32 s8, $0xFFFFF086  }
0x1c: {  	p1 =	slt.u32 s9, $0xF7A;
	s5 =	simm.s32 @!p2 $0x0  }
0x1d: {  	s5 =	simm.s32 @p1 $0x1;
	p0 =	seq.s32 s7, s2  }
0x1e: {  	s7 =	smul.u32 @!p0 $0xF7A, s2;
	p2 =	seq.s32 @!p0 s5, $0x0  }
0x1f: {  	s9 =	smul.u32 $0xF7A, s1;
	s8 =	simm.s32 @!p0 $0x1BF5;
	p2 =	por !p2, p0  }
0x20: {  	[sflag:s8] =	ssyncset.s32 @!p0 $0xFFFFF086;
	s6 =	sadd.s32 @!p0 s3, s7;
	s7 =	simm.s32 @!p0 $0x108  }
0x21: {  	s3 =	sadd.s32 s3, s9;
	s6 =	sadd.s32 @!p0 $0x88, s6;
	s7 =	simm.s32 @p2 $0x1082  }
0x22: {  	[simem:s7], [sflag:s8] =	dma.local @!p0 [hbm:s6], $0xF7A  }
0x23: {  	s9 =	sor.u32 $0xD0000000, s2;
	s6 =	simm.s32 $0x108;
	_ =	swait.ge @!p0 [sflag:s8], $0x0  }
0x24: {  	s3 =	sadd.s32 $0x88, s3;
	s6 =	simm.s32 @!p1 $0x1082;
	[sflag:s4] =	ssyncset.s32 $0xFFFFF086  }
0x25: {  	[simem:s6], [sflag:s4] =	dma.local [hbm:s3], $0xF7A  }
0x26: {  	[smem:$0x3F9B] =	sst s1;
	(tag) =	ssettag s2;
	_ =	strace s9  }
0x27: {  	s1 =	sld [smem:$0x3FAB]  }
0x28: {  	s2 =	sld [smem:$0x3FAC]  }
0x29: {  	s4 =	sld [smem:$0x3FAE]  }
0x2a: {  	p0 =	seq.s32 s5, $0x0;
	s5 =	sld [smem:$0x3FAF]  }
0x2b: {  	s6 =	sld [smem:$0x3FB0]  }
0x2c: {  	s7 =	sld [smem:$0x3FB1]  }
0x2d: {  	s3 =	simm.s32 $0x108;
	s8 =	sld [smem:$0x3FB2]  }
0x2e: {  	s3 =	simm.s32 @!p0 $0x1082;
	s9 =	sld [smem:$0x3FB3]  }
0x2f: {  	lr =	sadd.s32 s0, s3;
	s0 =	sld [smem:$0x3FAA]  }
0x30: {  	s3 =	sld [smem:$0x3FAD]  }
0x31: {  	[smem:$0x3FB6] =	sst s10  }
0x32: {  	s10 =	sld [smem:$0x3FB4];
	_ =	sdelay $0x3  }
0x33: {  	p0 =	seq.s32 s10, $0x1;
	s10 =	sld [smem:$0x3FB6];
	_ =	sdelay $0x3  }
0x34: {  	[smem:$0x3FB6] =	sst s10  }
0x35: {  	s10 =	sld [smem:$0x3FB5];
	_ =	sdelay $0x3  }
0x36: {  	p1 =	seq.s32 s10, $0x1;
	s10 =	sld [smem:$0x3FB6];
	_ =	sdelay $0x3  }
0x37: {  	[smem:$0x3FB6] =	sst s10  }
0x38: {  	s10 =	sld [smem:$0x3FB7]  }
0x39: {  	_ = 	snop;
	(pc) =	sbr.ind lr, $3  }
0x3a: {  	_ = 	snop  }
0x3b: {  	_ = 	snop  }
0x3c: {  	p2 =	seq.s32 s10, $0x1;
	s10 =	sld [smem:$0x3FB6]  }
0x3d: {  	_ =	shalt  }
0x3e: {  	_ =	shalt  }
0x3f: {  	_ =	shalt  }
0x40: {  	_ =	shalt  }
0x41: {  	_ =	shalt  }
0x42: {  	_ =	shalt  }
0x43: {  	_ =	shalt  }
0x44: {  	_ =	shalt  }
0x45: {  	_ =	shalt  }
0x46: {  	_ =	shalt  }
0x47: {  	_ =	shalt  }
0x48: {  	_ =	shalt  }
0x49: {  	_ =	shalt  }
0x4a: {  	_ =	shalt  }
0x4b: {  	_ =	shalt  }
0x4c: {  	_ =	shalt  }
0x4d: {  	_ =	shalt  }
0x4e: {  	_ =	shalt  }
0x4f: {  	_ =	shalt  }
0x50: {  	_ =	shalt  }
0x51: {  	_ =	shalt  }
0x52: {  	_ =	shalt  }
0x53: {  	_ =	shalt  }
0x54: {  	_ =	shalt  }
0x55: {  	_ =	shalt  }
0x56: {  	_ =	shalt  }
0x57: {  	_ =	shalt  }
0x58: {  	_ =	shalt  }
0x59: {  	_ =	shalt  }
0x5a: {  	_ =	shalt  }
0x5b: {  	_ =	shalt  }
0x5c: {  	_ =	shalt  }
0x5d: {  	_ =	shalt  }
0x5e: {  	_ =	shalt  }
0x5f: {  	_ =	shalt  }
0x60: {  	_ =	shalt  }
0x61: {  	_ =	shalt  }
0x62: {  	_ =	shalt  }
0x63: {  	_ =	shalt  }
0x64: {  	_ =	shalt  }
0x65: {  	_ =	shalt  }
0x66: {  	_ =	shalt  }
0x67: {  	_ =	shalt  }
0x68: {  	_ =	shalt  }
0x69: {  	_ =	shalt  }
0x6a: {  	_ =	shalt  }
0x6b: {  	_ =	shalt  }
0x6c: {  	_ =	shalt  }
0x6d: {  	_ =	shalt  }
0x6e: {  	_ =	shalt  }
0x6f: {  	_ =	shalt  }
0x70: {  	_ =	shalt  }
0x71: {  	_ =	shalt  }
0x72: {  	_ =	shalt  }
0x73: {  	_ =	shalt  }
0x74: {  	_ =	shalt  }
0x75: {  	_ =	shalt  }
0x76: {  	_ =	shalt  }
0x77: {  	_ =	shalt  }
0x78: {  	_ =	shalt  }
0x79: {  	_ =	shalt  }
0x7a: {  	_ =	shalt  }
0x7b: {  	_ =	shalt  }
0x7c: {  	_ =	shalt  }
0x7d: {  	_ =	shalt  }
0x7e: {  	_ =	shalt  }
0x7f: {  	_ =	shalt  }
0x80: {  	_ =	shalt  }
0x81: {  	_ =	shalt  }
0x82: {  	_ =	shalt  }
0x83: {  	_ =	shalt  }
0x84: {  	_ =	shalt  }
0x85: {  	_ =	shalt  }
0x86: {  	_ =	shalt  }
0x87: {  	_ =	shalt  }
.Lfunc_end0:
.L_simem_size_0:
called_computation_lowered:
.L_overlay_start_0:
0x88: {  	s2 =	sld [smem:$0x3FD9]  }
0x89: {  	s3 =	sld [smem:$0x3FFE];
	_ =	sdelay $0x1  }
0x8a: {  	s1 =	srdreg.scid  }
0x8b: {  	s0 =	sand.u32 $0x1, s1  }
0x8c: {  	s17 =	sshll.u32 s0, $0xA;
	s2 =	sadd.s32 s3, s2  }
0x8d: {  	s2 =	sadd.s32 s2, s17  }
0x8e: {  	[smem:$0x3FC2] =	sst s2  }
0x8f: {  	_ = 	snop  }
0x90: {  	s2 =	sld [smem:$0x3FD0];
	(tm) =	ssettm $0x1  }
0x91: {  	s18 =	sld [smem:$0x3FFB];
	_ =	sdelay $0x3  }
0x92: {  	_ =	strace s18  }
0x93: {  	s3 =	sld [smem:$0x3FFC];
	_ =	sdelay $0x3  }
0x94: {  	_ =	strace s3  }
0x95: {  	s3 =	sld [smem:$0x3FFD];
	_ =	sdelay $0x3  }
0x96: {  	_ =	strace s3  }
0x97: {  	_ =	strace $0x8FFFFFFF  }
0x98: {  	s19 =	sld [smem:$0x3FDB];
	_ =	sdelay $0x1  }
0x99: {  	s4 =	simm.s32 $_scs_section_size  }
0x9a: {  	s5 =	simm.s32 $_size__tile_overlayer_lowered;
	s6 =	simm.s32 $_tile_overlayer_lowered  }
0x9b: {  	s22 =	simm.s32 $0x1BFF;
	s21 =	sshll.u32 s6, $0x1;
	s3 =	sadd.s32 s4, s19  }
0x9c: {  	s7 =	simm.s32 $0x0;
	s20 =	sshll.u32 s5, $0x1;
	s5 =	sadd.s32 s21, s3  }
0x9d: {  	[timem:s7], [sflag:s22] =	dma.local [hbm:s5], s20  }
0x9e: {  	_ =	swait.ge [sflag:s22], s20  }
0x9f: {  	s4 =	ssub.s32 $0x0, s20;
	[sflag:s22] =	ssyncset.done $0x0  }
0xa0: {  	[sflag:s22] =	ssyncadd.s32 s4;
	_ =	sdelay $0x1  }
0xa1: {  	s23 =	simm.s32 $0x1B8B  }
0xa2: {  	_ =	swait.ge [sflag:s23], $0x1  }
0xa3: {  	[sflag:s23] =	ssyncset.done $0x0  }
0xa4: {  	s25 =	simm.s32 $0x1B8E;
	s24 =	sld [smem:$0x3FFE];
	[sflag:s23] =	ssyncadd.s32 $0xFFFFFFFF  }
0xa5: {  	s26 =	simm.s32 $execute0_lowered;
	[smem:$0x3FD2] =	sst s25  }
0xa6: {  	s5 =	sshll.u32 s26, $0x1;
	_ =	strace $0x80000046;
	[dreg:$0x1] =	wrdreg $0xFFFFFFFF  }
0xa7: {  	s28 =	simm.s32 $_size_execute0_lowered;
	s3 =	sadd.s32 s3, s5;
	[dreg:$0x0] =	wrdreg $0x0  }
0xa8: {  	s5 =	sshll.u32 s28, $0x1;
	[dreg:$0x2] =	wrdreg s3  }
0xa9: {  	[dreg:$0x3] =	wrdreg s5  }
0xaa: {  	[dreg:$0x4] =	wrdreg $0xC0  }
0xab: {  	_ =	task [dreg:s7], $0x5FFFF  }
0xac: {  	[dreg:$0x1] =	wrdreg $0xFFFFFFFF  }
0xad: {  	[dreg:$0x0] =	wrdreg $0x60  }
0xae: {  	[dreg:$0x2] =	wrdreg s24  }
0xaf: {  	[dreg:$0x3] =	wrdreg s2  }
0xb0: {  	[dreg:$0x4] =	wrdreg $0x9  }
0xb1: {  	_ =	task.clear_ibuf [dreg:s7], $0x5FFFF;
	_ =	strace $0x90000046  }
0xb2: {  	s29 =	simm.s32 $0x9;
	_ =	strace $0x80000048  }
0xb3: {  	_ =	swait.ge [sflag:s29], $0x1  }
0xb4: {  	[sflag:s29] =	ssyncadd.s32 $0xFFFFFFFF  }
0xb5: {  	_ =	strace $0x90000048  }
0xb6: {  	_ =	sfence  }
0xb7: {  	s30 =	sld [smem:$0x0];
	_ =	sdelay $0x2  }
0xb8: {  	s31 =	sshll.u32 s1, $0xD;
	s1 =	sshrl.u32 s1, $0x2  }
0xb9: {  	s3 =	sand.u32 $0x4000, s31;
	s1 =	sadd.s32 s1, s30  }
0xba: {  	s0 =	sor.u32 s3, s0;
	s1 =	sshll.u32 s1, $0x11  }
0xbb: {  	s0 =	sor.u32 s1, s0  }
0xbc: {  	s0 =	sadd.s32 $0x8F2B, s0  }
0xbd: {  	[sflag:s0] =	ssyncadd.remote.s32 $0x1  }
0xbe: {  	_ =	sfence.sel $0xFFFF  }
0xbf: {  	[dreg:$0x0] =	wrdreg $0xFFFFFFFF;
	(pc) =	sbr.abs _section_cstart, $3  }
0xc0: {  	[dreg:$0x1] =	wrdreg $0xFFFFFFFF  }
0xc1: {  	_ =	task.clear_ibuf [dreg:s7], $0x2FFFF;
	_ =	strace $0x9FFFFFFF  }
0xc2: {  	(tm) =	ssettm $0x7FFFFFFF  }
0xc3: {  	_ =	shalt  }
tec
execute0_lowered:
.L_overlay_start_1:
0x0: {  	(tag) =	ssettag $0x1  }
0x1: {  	s4 =	rddreg [dreg:$0x0]  }
0x2: {  	s6 =	rddreg [dreg:$0x1]  }
0x3: {  	s0 =	rddreg [dreg:$0x2];
	s3 =	srdreg.scid  }
0x4: {  	s1 =	stileid.u32;
	s2 =	simm.s32 $0x0;
	s11 =	simm.s32 $0x0  }
0x5: {  	s5 =	sand.u32 $0x1, s3;
	s29 =	sshll.u32 s1, $0x1;
	s10 =	smul.u32 $0x32000, s1  }
0x6: {  	[smem:$0x7FF] =	sst s2;
	s3 =	sor.u32 s5, s29;
	s31 =	smul.u32 $0x19000, s5  }
0x7: {  	_ =	strace $0x80000047;
	s8 =	ssub.s32 $0x2, s5;
	s7 =	smul.u32 $0xC80, s3  }
0x8: {  	s3 =	sadd.s32 $0xF5C000, s4;
	s9 =	sshrl.u32 s8, $0x1;
	s6 =	sadd.s32 s10, s6  }
0x9: {  	s10 =	simm.s32 $0x1;
	s30 =	ssub.s32 s8, s9;
	s6 =	sadd.s32 s31, s6  }
0xa: {  	s8 =	simm.s32 $0x80;
	s9 =	simm.s32 $0x6400;
	s4 =	sadd.s32 s7, s4  }
0xb: {  	s5 =	smax.u32 s30, $0x1;
	s7 =	simm.s32 $0x2;
	s4 =	sadd.s32 $0xC00, s4  }
.LBB2_1:
0xc: {  	[tilespmem:s2], [sflag:$0x2] =	stream.linear.gather [hbm4b:s4+s2], $0x6400, $0x38;
	[tilespmem:$0x7400] =	vst v63  }
0xd: {  	_ =	swait.ge [sflag:s7], $0x6400  }
0xe: {  	[sflag:s7] =	ssyncset.done $0x0  }
0xf: {  	s12 =	simm.s32 $0x0;
	[sflag:s7] =	ssyncadd.s32 $0xFFFF9C00  }
0x10: {  	[tilespmem:s9], [sflag:$0x1] =	stream.indirect.gather [hbm4b:s3+s8], $0x20, s12, s8, $0xb8;
	[tilespmem:$0x7400] =	vst v63  }
0x11: {  	_ =	swait.ge [sflag:s10], $0x1000  }
0x12: {  	[sflag:s10] =	ssyncset.done $0x0  }
0x13: {  	s31 =	sadd.s32 $0x0, s6;
	[sflag:s10] =	ssyncadd.s32 $0xFFFFF000  }
0x14: {  	[hbm4b:s31+s2] =	stream.linear.scatter [tilespmem:s9], [sflag:$0x2], $0x1000, $0x38;
	[tilespmem:$0x7400] =	vst v63  }
0x15: {  	_ =	swait.ge [sflag:s7], $0x1000  }
0x16: {  	s13 =	simm.s32 $0x400;
	s12 =	simm.s32 $0x200;
	[sflag:s7] =	ssyncset.done $0x0  }
.LBB2_2:
0x17: {  	s14 =	sshra.s32 s12, $0x2  }
0x18: {  	[sflag:s7] =	ssyncadd.s32 $0xFFFFF000;
	s15 =	smov.u32 s13;
	s16 =	sadd.s32 $0x200, s13  }
0x19: {  	[tilespmem:s9], [sflag:$0x1] =	stream.indirect.gather [hbm4b:s3+s8], $0x20, s14, s8, $0xb8;
	[tilespmem:$0x7400] =	vst v63  }
0x1a: {  	p0 =	sne.s32 s13, $0x18E00;
	_ =	swait.ge [sflag:s10], $0x1000  }
.Ltmp0:
0x1b: {  	[sflag:s10] =	ssyncset.done $0x0;
	(pc) =	sbr.rel @p0 .LBB2_2-.Ltmp0, $4  }
0x1c: {  	s13 =	sadd.s32 s12, s6;
	s12 =	smov.u32 s15;
	[sflag:s10] =	ssyncadd.s32 $0xFFFFF000  }
0x1d: {  	[hbm4b:s13+s2] =	stream.linear.scatter [tilespmem:s9], [sflag:$0x2], $0x1000, $0x38;
	[tilespmem:$0x7400] =	vst v63  }
0x1e: {  	_ =	swait.ge [sflag:s7], $0x1000  }
0x1f: {  	s13 =	smov.u32 s16;
	[sflag:s7] =	ssyncset.done $0x0  }
0x20: {  	s13 =	sshra.s32 s12, $0x2;
	[sflag:s7] =	ssyncadd.s32 $0xFFFFF000  }
0x21: {  	[tilespmem:s9], [sflag:$0x1] =	stream.indirect.gather [hbm4b:s3+s8], $0x20, s13, s8, $0xb8;
	[tilespmem:$0x7400] =	vst v63  }
0x22: {  	s11 =	sadd.s32 $0x1, s11;
	_ =	swait.ge [sflag:s10], $0x1000  }
0x23: {  	p0 =	sne.s32 s11, s5;
	[sflag:s10] =	ssyncset.done $0x0  }
.Ltmp1:
0x24: {  	s31 =	sadd.s32 s12, s6;
	[sflag:s10] =	ssyncadd.s32 $0xFFFFF000;
	(pc) =	sbr.rel @p0 .LBB2_1-.Ltmp1, $4  }
0x25: {  	[hbm4b:s31+s2] =	stream.linear.scatter [tilespmem:s9], [sflag:$0x2], $0x1000, $0x38;
	[tilespmem:$0x7400] =	vst v63  }
0x26: {  	_ =	swait.ge [sflag:s7], $0x1000  }
0x27: {  	[sflag:s7] =	ssyncset.done $0x0  }
0x28: {  	[sflag:s7] =	ssyncadd.s32 $0xFFFFF000  }
0x29: {  	_ =	sfence.sel $0x180000  }
0x2a: {  	[bflag:$0x0] =	sbarrier.arrive $0xFFFF  }
0x2b: {  	p0 =	sne.s32 s1, $0x0;
	_ =	strace $0x90000047  }
0x2c: {  	s0 =	sadd.s32 @!p0 $0x100000, s0;
	[bflag:$0x2] =	sbarrier.arrive $0xFFFF  }
0x2d: {  	[sflag:s0] =	ssyncadd.tile.s32 @!p0 $0x1;
	_ =	shalt  }
.Lfunc_end2:
_tile_overlayer_lowered:
.L_overlay_start_2:
0x2e: {  	(tag) =	ssettag $0x2  }
0x2f: {  	s0 =	rddreg [dreg:$0x0];
	s2 =	stileid.u32  }
0x30: {  	s1 =	rddreg [dreg:$0x1];
	p0 =	sne.s32 s2, $0x0  }
0x31: {  	s3 =	rddreg [dreg:$0x2];
	[bflag:$0x3] =	sbarrier.arrive $0xFFFF;
	s2 =	simm.s32 @!p0 $0x1C02  }
0x32: {  	[timem:s3], [sflag:s2] =	dma.local @!p0 [hbm:s0], s1  }
0x33: {  	s0 =	simm.s32 @!p0 $0x2  }
0x34: {  	_ =	swait.ge @!p0 [sflag:s0], s1  }
0x35: {  	s1 =	ssub.s32 @!p0 $0x0, s1;
	[sflag:s0] =	ssyncset.done @!p0 $0x0  }
0x36: {  	[sflag:s0] =	ssyncadd.s32 @!p0 s1  }
0x37: {  	[bflag:$0x3] =	sbarrier.arrive $0xFFFF  }
0x38: {  	_ =	shalt  }

</sc_bundles>
